<compile_context>
chip_gen: v7x
topology: tpu7x:2x2x1
jax: 0.10.2.dev20260603
libtpu: 0.0.44.dev20260713+nightly
codegen_flags: <defaults>
</compile_context>

<pallas_src>
import functools

import jax
import jax.numpy as jnp
from jax import lax
from jax.experimental import pallas as pl
from jax.experimental.pallas import tpu as pltpu
from jax.experimental.pallas import tpu_sc as plsc

N = 10000
E = 320000
F = 128
R = 8

NC = 2
NS = 16
NW = NC * NS
EPW = E // NW
CHUNK = 80
NCH = EPW // CHUNK
WBT = 10
WBR = N // WBT
LANES = 16

EROWS = E // F


def _mm_body(f_ref, w_ref, src_ref, et_ref, o_ref, gidx_ref):
    @pl.when(pl.program_id(0) == 0)
    def _ids():
        gidx_ref[...] = et_ref[...] * N + src_ref[...]
    o_ref[...] = lax.dot_general(
        f_ref[...], w_ref[0],
        dimension_numbers=(((1,), (1,)), ((), ())),
        preferred_element_type=jnp.float32,
    )


def _transform(feat, W, src2, et2):
    return pl.pallas_call(
        _mm_body,
        grid=(R,),
        in_specs=[
            pl.BlockSpec((N, F), lambda r: (0, 0)),
            pl.BlockSpec((1, F, F), lambda r: (r, 0, 0)),
            pl.BlockSpec((EROWS, F), lambda r: (0, 0)),
            pl.BlockSpec((EROWS, F), lambda r: (0, 0)),
        ],
        out_specs=[
            pl.BlockSpec((N, F), lambda r: (r, 0)),
            pl.BlockSpec((EROWS, F), lambda r: (0, 0)),
        ],
        out_shape=[
            jax.ShapeDtypeStruct((R * N, F), jnp.float32),
            jax.ShapeDtypeStruct((EROWS, F), jnp.int32),
        ],
    )(feat, W, src2, et2)


@functools.cache
def _make_edge_scatter():
    mesh = plsc.VectorSubcoreMesh(core_axis_name="c", subcore_axis_name="s")

    @functools.partial(
        pl.kernel,
        mesh=mesh,
        out_type=jax.ShapeDtypeStruct((NC, N, F), jnp.float32),
        scratch_types=[
            pltpu.VMEM((EPW,), jnp.int32),
            pltpu.VMEM((NCH, CHUNK), jnp.int32),
            pltpu.VMEM((CHUNK, F), jnp.float32),
            pltpu.VMEM((CHUNK, F), jnp.float32),
            pltpu.VMEM_SHARED((N, F), jnp.float32),
            pltpu.SemaphoreType.DMA,
            pltpu.SemaphoreType.DMA,
        ],
    )
    def _edge_scatter(h2, gidx_h, dst3_h, zeros_h, ypart,
                      gidx1, dst2, rows_a, rows_b, ysh, sem_a, sem_b):
        c = lax.axis_index("c")
        s = lax.axis_index("s")
        wid = c * NS + s
        ebase = wid * EPW

        pltpu.sync_copy(gidx_h.at[pl.ds(ebase, EPW)], gidx1)
        pltpu.sync_copy(dst3_h.at[wid], dst2)

        def _gather(i, buf, sem):
            return pltpu.async_copy(
                h2.at[gidx1.at[pl.ds(i * CHUNK, CHUNK)]], buf, sem)

        def _gather_wait(i, buf, sem):
            pltpu.make_async_copy(
                h2.at[gidx1.at[pl.ds(i * CHUNK, CHUNK)]], buf, sem).wait()

        _gather(0, rows_a, sem_a)
        _gather(1, rows_b, sem_b)

        @pl.when(s < WBT)
        def _zero_slice():
            pltpu.sync_copy(zeros_h.at[pl.ds(s * WBR, WBR)],
                            ysh.at[pl.ds(s * WBR, WBR)])
        plsc.subcore_barrier()

        def _pair(p, carry):
            i0 = 2 * p
            _gather_wait(i0, rows_a, sem_a)
            pltpu.sync_copy(rows_a, ysh.at[dst2.at[i0]], add=True)
            _gather(i0 + 2, rows_a, sem_a)
            _gather_wait(i0 + 1, rows_b, sem_b)
            pltpu.sync_copy(rows_b, ysh.at[dst2.at[i0 + 1]], add=True)
            @pl.when(i0 + 3 < NCH)
            def _g():
                _gather(i0 + 3, rows_b, sem_b)
            return carry
        lax.fori_loop(0, (NCH - 1) // 2, _pair, 0)

        last = NCH - 1
        _gather_wait(last, rows_a, sem_a)
        pltpu.sync_copy(rows_a, ysh.at[dst2.at[last]], add=True)

        plsc.subcore_barrier()

        @pl.when(s < WBT)
        def _writeback():
            pltpu.sync_copy(ysh.at[pl.ds(s * WBR, WBR)],
                            ypart.at[c, pl.ds(s * WBR, WBR)])

    return _edge_scatter


def _add_body(a_ref, b_ref, o_ref):
    o_ref[...] = a_ref[0] + b_ref[0]


def _combine(ypart):
    return pl.pallas_call(
        _add_body,
        grid=(10,),
        in_specs=[
            pl.BlockSpec((1, N // 10, F), lambda i: (0, i, 0)),
            pl.BlockSpec((1, N // 10, F), lambda i: (1, i, 0)),
        ],
        out_specs=pl.BlockSpec((N // 10, F), lambda i: (i, 0)),
        out_shape=jax.ShapeDtypeStruct((N, F), jnp.float32),
    )(ypart, ypart)


def kernel(feat, edge_index, etypes, W):
    src2 = edge_index[0].reshape(EROWS, F)
    et2 = etypes.reshape(EROWS, F)
    dst3 = edge_index[1].reshape(NW, NCH, CHUNK)
    zeros = jnp.zeros((N, F), jnp.float32)
    h2, gidx2 = _transform(feat, W, src2, et2)
    gidx = gidx2.reshape(E)
    ypart = _make_edge_scatter()(h2, gidx, dst3, zeros)
    return _combine(ypart)

# --- scband reference (transcript-rebuilt; emitter-appended) ---
"""Pipeline reference for scband-rgcnsparse-tirnaive-layer-58411555226290 (READ-ONLY COPY).

The authoritative reference and input builder live on the scoring server;
editing this copy changes nothing except your own understanding.
"""

import jax, jax.numpy as jnp
import numpy as np

N = 10000
E = 320000
IN_FEAT = 128
OUT_FEAT = 128
NUM_RELS = 8


def setup_inputs(seed: int = 0) -> dict:
    key = jax.random.key(seed)
    k1, k2, k3, k4 = jax.random.split(key, 4)
    feat = jax.random.normal(k1, (N, IN_FEAT), dtype=jnp.float32)
    edge_index = jax.random.randint(k2, (2, E), 0, N, dtype=jnp.int32)
    etypes = jax.random.randint(k3, (E,), 0, NUM_RELS, dtype=jnp.int32)
    # Learned relation weight tensor W[num_rels, out_feat, in_feat] per module __init__
    W = jax.random.normal(k4, (NUM_RELS, OUT_FEAT, IN_FEAT), dtype=jnp.float32) * (1.0 / np.sqrt(IN_FEAT))
    return {"feat": feat, "edge_index": edge_index, "etypes": etypes, "W": W}


def reference(feat, edge_index, etypes, W):
    # RGCN hetero forward, faithful to the SparseTIR kernel semantics:
    #   Y[i, fo] = sum_{r} sum_{j in N_r(i)} sum_{fi} A[r,i,j] * W[r,fo,fi] * X[j,fi]
    # with A[r,i,j] == 1.0 for every materialized edge (A is all-ones in create_naive_kernel).
    # Equivalent per-relation formulation: transform every node feature by each relation's
    # weight, then gather the relation-specific transformed source feature per edge and
    # scatter-add into the destination node.
    src = edge_index[0]
    dst = edge_index[1]
    # H[r, n, fo] = sum_fi W[r, fo, fi] * X[n, fi]
    H = jnp.einsum('nd,rod->rno', feat, W)
    # per-edge message: W[etype[e]] @ X[src[e]]  (gather on SparseCore)
    msgs = H[etypes, src]
    # scatter-add messages into destination nodes
    Y = jax.ops.segment_sum(msgs, dst, num_segments=N)
    return Y

if __name__ == "__main__":
    import jax
    _d = setup_inputs()
    print(jax.jit(kernel)(*tuple(_d.values())))

</pallas_src>

<mosaic_0001>
#map = affine_map<(d0, d1) -> (0, 0)>
#map1 = affine_map<(d0, d1) -> (0)>
#map2 = affine_map<(d0, d1) -> (0, 0, 0)>
module attributes {stable_mosaic.version = 14 : i64} {
  func.func @_edge_scatter(%arg0: i32, %arg1: i32, %arg2: memref<80000x128xf32, #tpu.memory_space<hbm>>, %arg3: memref<320000xi32, #tpu.memory_space<hbm>>, %arg4: memref<32x125x80xi32, #tpu.memory_space<hbm>>, %arg5: memref<10000x128xf32, #tpu.memory_space<hbm>>, %arg6: memref<2x10000x128xf32, #tpu.memory_space<hbm>>, %arg7: memref<10000xi32, #tpu.memory_space<vmem>>, %arg8: memref<125x80xi32, #tpu.memory_space<vmem>>, %arg9: memref<80x128xf32, #tpu.memory_space<vmem>>, %arg10: memref<80x128xf32, #tpu.memory_space<vmem>>, %arg11: memref<10000x128xf32, #tpu.memory_space<vmem_shared>>, %arg12: memref<!tpu.dma_semaphore, #tpu.memory_space<semaphore_mem>>, %arg13: memref<!tpu.dma_semaphore, #tpu.memory_space<semaphore_mem>>) attributes {dimension_semantics = [#tpu.dimension_semantics<core_parallel>, #tpu.dimension_semantics<subcore_parallel>], iteration_bounds = array<i64: 2, 16>, scalar_prefetch = 0 : i64, scratch_operands = 7 : i64, tpu.core_type = #tpu.core_type<sc_vector_subcore>, window_params = [{transform_indices = #map}, {transform_indices = #map1}, {transform_indices = #map2}, {transform_indices = #map}, {transform_indices = #map2}]} {
    %mul3A = arith.constant 16 : i32
    %mul3A_0 = arith.muli %arg0, %mul3A : i32
    %add3A = arith.addi %mul3A_0, %arg1 : i32
    %mul3A_1 = arith.constant 10000 : i32
    %mul3A_2 = arith.muli %add3A, %mul3A_1 : i32
    "tpu.region"() ({
      %run_scoped3A_29 = tpu.sem_alloc : memref<!tpu.dma_semaphore, #tpu.memory_space<semaphore_mem>>
      %dma_start3A_30 = tpu.memref_slice %arg3[%mul3A_2] : memref<320000xi32, #tpu.memory_space<hbm>> -> memref<10000xi32, #tpu.memory_space<hbm>>
      %dma_start3A_31 = tpu.memref_slice %arg3[%mul3A_2] : memref<320000xi32, #tpu.memory_space<hbm>> -> memref<10000xi32, #tpu.memory_space<hbm>>
      tpu.enqueue_dma source(%dma_start3A_31 : memref<10000xi32, #tpu.memory_space<hbm>>) target(%arg7 : memref<10000xi32, #tpu.memory_space<vmem>>) target_semaphore(%run_scoped3A_29 : memref<!tpu.dma_semaphore, #tpu.memory_space<semaphore_mem>>)
      %dma_wait3A_32 = tpu.memref_slice %arg3[%mul3A_2] : memref<320000xi32, #tpu.memory_space<hbm>> -> memref<10000xi32, #tpu.memory_space<hbm>>
      %dma_wait3A_33 = tpu.memref_slice %arg3[%mul3A_2] : memref<320000xi32, #tpu.memory_space<hbm>> -> memref<10000xi32, #tpu.memory_space<hbm>>
      tpu.wait_dma2 semaphore(%run_scoped3A_29 : memref<!tpu.dma_semaphore, #tpu.memory_space<semaphore_mem>>) src(%dma_wait3A_33 : memref<10000xi32, #tpu.memory_space<hbm>>) dst(%arg7 : memref<10000xi32, #tpu.memory_space<vmem>>)
      tpu.yield
    }) : () -> ()
    "tpu.region"() ({
      %run_scoped3A_29 = tpu.sem_alloc : memref<!tpu.dma_semaphore, #tpu.memory_space<semaphore_mem>>
      %dma_start3A_30 = arith.constant 0 : i32
      %dma_start3A_31 = arith.constant 0 : i32
      %dma_start3A_32 = tpu.memref_slice %arg4[%add3A, %dma_start3A_30, %dma_start3A_31] : memref<32x125x80xi32, #tpu.memory_space<hbm>> -> memref<1x125x80xi32, #tpu.memory_space<hbm>>
      %dma_start3A_33 = tpu.memref_squeeze %dma_start3A_32 : memref<1x125x80xi32, #tpu.memory_space<hbm>> -> memref<125x80xi32, #tpu.memory_space<hbm>>
      %dma_start3A_34 = arith.constant 0 : i32
      %dma_start3A_35 = arith.constant 0 : i32
      %dma_start3A_36 = tpu.memref_slice %arg4[%add3A, %dma_start3A_34, %dma_start3A_35] : memref<32x125x80xi32, #tpu.memory_space<hbm>> -> memref<1x125x80xi32, #tpu.memory_space<hbm>>
      %dma_start3A_37 = tpu.memref_squeeze %dma_start3A_36 : memref<1x125x80xi32, #tpu.memory_space<hbm>> -> memref<125x80xi32, #tpu.memory_space<hbm>>
      tpu.enqueue_dma source(%dma_start3A_37 : memref<125x80xi32, #tpu.memory_space<hbm>>) target(%arg8 : memref<125x80xi32, #tpu.memory_space<vmem>>) target_semaphore(%run_scoped3A_29 : memref<!tpu.dma_semaphore, #tpu.memory_space<semaphore_mem>>)
      %dma_wait3A_38 = arith.constant 0 : i32
      %dma_wait3A_39 = arith.constant 0 : i32
      %dma_wait3A_40 = tpu.memref_slice %arg4[%add3A, %dma_wait3A_38, %dma_wait3A_39] : memref<32x125x80xi32, #tpu.memory_space<hbm>> -> memref<1x125x80xi32, #tpu.memory_space<hbm>>
      %dma_wait3A_41 = tpu.memref_squeeze %dma_wait3A_40 : memref<1x125x80xi32, #tpu.memory_space<hbm>> -> memref<125x80xi32, #tpu.memory_space<hbm>>
      %dma_wait3A_42 = arith.constant 0 : i32
      %dma_wait3A_43 = arith.constant 0 : i32
      %dma_wait3A_44 = tpu.memref_slice %arg4[%add3A, %dma_wait3A_42, %dma_wait3A_43] : memref<32x125x80xi32, #tpu.memory_space<hbm>> -> memref<1x125x80xi32, #tpu.memory_space<hbm>>
      %dma_wait3A_45 = tpu.memref_squeeze %dma_wait3A_44 : memref<1x125x80xi32, #tpu.memory_space<hbm>> -> memref<125x80xi32, #tpu.memory_space<hbm>>
      tpu.wait_dma2 semaphore(%run_scoped3A_29 : memref<!tpu.dma_semaphore, #tpu.memory_space<semaphore_mem>>) src(%dma_wait3A_45 : memref<125x80xi32, #tpu.memory_space<hbm>>) dst(%arg8 : memref<125x80xi32, #tpu.memory_space<vmem>>)
      tpu.yield
    }) : () -> ()
    %dma_start3A = arith.constant 0 : i32
    %dma_start3A_3 = tpu.memref_slice %arg7[%dma_start3A] : memref<10000xi32, #tpu.memory_space<vmem>> -> memref<80xi32, #tpu.memory_space<vmem>>
    %dma_start3A_4 = arith.constant 0 : i32
    %dma_start3A_5 = arith.constant 0 : i32
    %dma_start3A_6 = tpu.memref_slice %arg2[%dma_start3A_4, %dma_start3A_5] : memref<80000x128xf32, #tpu.memory_space<hbm>> -> memref<80000x128xf32, #tpu.memory_space<hbm>>
    tpu.enqueue_indirect_dma source(%dma_start3A_6 : memref<80000x128xf32, #tpu.memory_space<hbm>>) target(%arg9 : memref<80x128xf32, #tpu.memory_space<vmem>>) offsets(%dma_start3A_3 : memref<80xi32, #tpu.memory_space<vmem>>) semaphore(%arg12 : memref<!tpu.dma_semaphore, #tpu.memory_space<semaphore_mem>>)
    %dma_start3A_7 = arith.constant 80 : i32
    %dma_start3A_8 = tpu.memref_slice %arg7[%dma_start3A_7] : memref<10000xi32, #tpu.memory_space<vmem>> -> memref<80xi32, #tpu.memory_space<vmem>>
    %dma_start3A_9 = arith.constant 0 : i32
    %dma_start3A_10 = arith.constant 0 : i32
    %dma_start3A_11 = tpu.memref_slice %arg2[%dma_start3A_9, %dma_start3A_10] : memref<80000x128xf32, #tpu.memory_space<hbm>> -> memref<80000x128xf32, #tpu.memory_space<hbm>>
    tpu.enqueue_indirect_dma source(%dma_start3A_11 : memref<80000x128xf32, #tpu.memory_space<hbm>>) target(%arg10 : memref<80x128xf32, #tpu.memory_space<vmem>>) offsets(%dma_start3A_8 : memref<80xi32, #tpu.memory_space<vmem>>) semaphore(%arg13 : memref<!tpu.dma_semaphore, #tpu.memory_space<semaphore_mem>>)
    %lt3A = arith.constant 10 : i32
    %lt3A_12 = arith.cmpi slt, %arg1, %lt3A : i32
    %convert_element_type3A = arith.extui %lt3A_12 : i1 to i32
    %cond3A = arith.constant 0 : i32
    %cond3A_13 = arith.cmpi ne, %convert_element_type3A, %cond3A : i32
    scf.if %cond3A_13 {
      %mul3A_29 = arith.constant 1000 : i32
      %mul3A_30 = arith.muli %arg1, %mul3A_29 : i32
      %mul3A_31 = arith.constant 1000 : i32
      %mul3A_32 = arith.muli %arg1, %mul3A_31 : i32
      "tpu.region"() ({
        %run_scoped3A_33 = tpu.sem_alloc : memref<!tpu.dma_semaphore, #tpu.memory_space<semaphore_mem>>
        %dma_start3A_34 = arith.constant 0 : i32
        %dma_start3A_35 = tpu.memref_slice %arg11[%mul3A_32, %dma_start3A_34] : memref<10000x128xf32, #tpu.memory_space<vmem_shared>> -> memref<1000x128xf32, #tpu.memory_space<vmem_shared>>
        %dma_start3A_36 = arith.constant 0 : i32
        %dma_start3A_37 = tpu.memref_slice %arg5[%mul3A_30, %dma_start3A_36] : memref<10000x128xf32, #tpu.memory_space<hbm>> -> memref<1000x128xf32, #tpu.memory_space<hbm>>
        tpu.enqueue_dma source(%dma_start3A_37 : memref<1000x128xf32, #tpu.memory_space<hbm>>) target(%dma_start3A_35 : memref<1000x128xf32, #tpu.memory_space<vmem_shared>>) target_semaphore(%run_scoped3A_33 : memref<!tpu.dma_semaphore, #tpu.memory_space<semaphore_mem>>)
        %dma_wait3A_38 = arith.constant 0 : i32
        %dma_wait3A_39 = tpu.memref_slice %arg11[%mul3A_32, %dma_wait3A_38] : memref<10000x128xf32, #tpu.memory_space<vmem_shared>> -> memref<1000x128xf32, #tpu.memory_space<vmem_shared>>
        %dma_wait3A_40 = arith.constant 0 : i32
        %dma_wait3A_41 = tpu.memref_slice %arg5[%mul3A_30, %dma_wait3A_40] : memref<10000x128xf32, #tpu.memory_space<hbm>> -> memref<1000x128xf32, #tpu.memory_space<hbm>>
        tpu.wait_dma2 semaphore(%run_scoped3A_33 : memref<!tpu.dma_semaphore, #tpu.memory_space<semaphore_mem>>) src(%dma_wait3A_41 : memref<1000x128xf32, #tpu.memory_space<hbm>>) dst(%dma_wait3A_39 : memref<1000x128xf32, #tpu.memory_space<vmem_shared>>)
        tpu.yield
      }) : () -> ()
    } else {
    }
    %barrier3A = arith.constant 0 : index
    tpu.barrier barrier_id(%barrier3A)
    %scan3A = arith.constant 0 : i32
    %scan3A_14 = arith.constant 0 : i32
    %scan3A_15 = arith.constant 62 : i32
    %scan3A_16 = arith.addi %scan3A_14, %scan3A_15 : i32
    %scan3A_17 = arith.constant 1 : i32
    scf.for %scan3A_29 = %scan3A_14 to %scan3A_16 step %scan3A_17  : i32 {
      %mul3A_30 = arith.constant 2 : i32
      %mul3A_31 = arith.muli %mul3A_30, %scan3A_29 : i32
      %mul3A_32 = arith.constant 80 : i32
      %mul3A_33 = arith.muli %mul3A_31, %mul3A_32 : i32
      %dma_wait3A_34 = tpu.memref_slice %arg7[%mul3A_33] : memref<10000xi32, #tpu.memory_space<vmem>> -> memref<80xi32, #tpu.memory_space<vmem>>
      %dma_wait3A_35 = arith.constant 0 : i32
      %dma_wait3A_36 = arith.constant 0 : i32
      %dma_wait3A_37 = tpu.memref_slice %arg2[%dma_wait3A_35, %dma_wait3A_36] : memref<80000x128xf32, #tpu.memory_space<hbm>> -> memref<80000x128xf32, #tpu.memory_space<hbm>>
      tpu.wait_indirect_dma semaphore(%arg12 : memref<!tpu.dma_semaphore, #tpu.memory_space<semaphore_mem>>) src(%dma_wait3A_37 : memref<80000x128xf32, #tpu.memory_space<hbm>>) dst(%arg9 : memref<80x128xf32, #tpu.memory_space<vmem>>)
      "tpu.region"() ({
        %run_scoped3A_63 = tpu.sem_alloc : memref<!tpu.dma_semaphore, #tpu.memory_space<semaphore_mem>>
        %dma_start3A_64 = arith.constant 0 : i32
        %dma_start3A_65 = tpu.memref_slice %arg8[%mul3A_31, %dma_start3A_64] : memref<125x80xi32, #tpu.memory_space<vmem>> -> memref<1x80xi32, #tpu.memory_space<vmem>>
        %dma_start3A_66 = tpu.memref_squeeze %dma_start3A_65 : memref<1x80xi32, #tpu.memory_space<vmem>> -> memref<80xi32, #tpu.memory_space<vmem>>
        %dma_start3A_67 = arith.constant 0 : i32
        %dma_start3A_68 = arith.constant 0 : i32
        %dma_start3A_69 = tpu.memref_slice %arg11[%dma_start3A_67, %dma_start3A_68] : memref<10000x128xf32, #tpu.memory_space<vmem_shared>> -> memref<10000x128xf32, #tpu.memory_space<vmem_shared>>
        tpu.enqueue_indirect_dma source(%arg9 : memref<80x128xf32, #tpu.memory_space<vmem>>) target(%dma_start3A_69 : memref<10000x128xf32, #tpu.memory_space<vmem_shared>>) offsets(%dma_start3A_66 : memref<80xi32, #tpu.memory_space<vmem>>) semaphore(%run_scoped3A_63 : memref<!tpu.dma_semaphore, #tpu.memory_space<semaphore_mem>>) {add = true}
        %dma_wait3A_70 = arith.constant 0 : i32
        %dma_wait3A_71 = tpu.memref_slice %arg8[%mul3A_31, %dma_wait3A_70] : memref<125x80xi32, #tpu.memory_space<vmem>> -> memref<1x80xi32, #tpu.memory_space<vmem>>
        %dma_wait3A_72 = tpu.memref_squeeze %dma_wait3A_71 : memref<1x80xi32, #tpu.memory_space<vmem>> -> memref<80xi32, #tpu.memory_space<vmem>>
        %dma_wait3A_73 = arith.constant 0 : i32
        %dma_wait3A_74 = arith.constant 0 : i32
        %dma_wait3A_75 = tpu.memref_slice %arg11[%dma_wait3A_73, %dma_wait3A_74] : memref<10000x128xf32, #tpu.memory_space<vmem_shared>> -> memref<10000x128xf32, #tpu.memory_space<vmem_shared>>
        tpu.wait_indirect_dma semaphore(%run_scoped3A_63 : memref<!tpu.dma_semaphore, #tpu.memory_space<semaphore_mem>>) src(%arg9 : memref<80x128xf32, #tpu.memory_space<vmem>>) dst(%dma_wait3A_75 : memref<10000x128xf32, #tpu.memory_space<vmem_shared>>)
        tpu.yield
      }) : () -> ()
      %add3A_38 = arith.constant 2 : i32
      %add3A_39 = arith.addi %mul3A_31, %add3A_38 : i32
      %mul3A_40 = arith.constant 80 : i32
      %mul3A_41 = arith.muli %add3A_39, %mul3A_40 : i32
      %dma_start3A_42 = tpu.memref_slice %arg7[%mul3A_41] : memref<10000xi32, #tpu.memory_space<vmem>> -> memref<80xi32, #tpu.memory_space<vmem>>
      %dma_start3A_43 = arith.constant 0 : i32
      %dma_start3A_44 = arith.constant 0 : i32
      %dma_start3A_45 = tpu.memref_slice %arg2[%dma_start3A_43, %dma_start3A_44] : memref<80000x128xf32, #tpu.memory_space<hbm>> -> memref<80000x128xf32, #tpu.memory_space<hbm>>
      tpu.enqueue_indirect_dma source(%dma_start3A_45 : memref<80000x128xf32, #tpu.memory_space<hbm>>) target(%arg9 : memref<80x128xf32, #tpu.memory_space<vmem>>) offsets(%dma_start3A_42 : memref<80xi32, #tpu.memory_space<vmem>>) semaphore(%arg12 : memref<!tpu.dma_semaphore, #tpu.memory_space<semaphore_mem>>)
      %add3A_46 = arith.constant 1 : i32
      %add3A_47 = arith.addi %mul3A_31, %add3A_46 : i32
      %mul3A_48 = arith.constant 80 : i32
      %mul3A_49 = arith.muli %add3A_47, %mul3A_48 : i32
      %dma_wait3A_50 = tpu.memref_slice %arg7[%mul3A_49] : memref<10000xi32, #tpu.memory_space<vmem>> -> memref<80xi32, #tpu.memory_space<vmem>>
      %dma_wait3A_51 = arith.constant 0 : i32
      %dma_wait3A_52 = arith.constant 0 : i32
      %dma_wait3A_53 = tpu.memref_slice %arg2[%dma_wait3A_51, %dma_wait3A_52] : memref<80000x128xf32, #tpu.memory_space<hbm>> -> memref<80000x128xf32, #tpu.memory_space<hbm>>
      tpu.wait_indirect_dma semaphore(%arg13 : memref<!tpu.dma_semaphore, #tpu.memory_space<semaphore_mem>>) src(%dma_wait3A_53 : memref<80000x128xf32, #tpu.memory_space<hbm>>) dst(%arg10 : memref<80x128xf32, #tpu.memory_space<vmem>>)
      %add3A_54 = arith.constant 1 : i32
      %add3A_55 = arith.addi %mul3A_31, %add3A_54 : i32
      "tpu.region"() ({
        %run_scoped3A_63 = tpu.sem_alloc : memref<!tpu.dma_semaphore, #tpu.memory_space<semaphore_mem>>
        %dma_start3A_64 = arith.constant 0 : i32
        %dma_start3A_65 = tpu.memref_slice %arg8[%add3A_55, %dma_start3A_64] : memref<125x80xi32, #tpu.memory_space<vmem>> -> memref<1x80xi32, #tpu.memory_space<vmem>>
        %dma_start3A_66 = tpu.memref_squeeze %dma_start3A_65 : memref<1x80xi32, #tpu.memory_space<vmem>> -> memref<80xi32, #tpu.memory_space<vmem>>
        %dma_start3A_67 = arith.constant 0 : i32
        %dma_start3A_68 = arith.constant 0 : i32
        %dma_start3A_69 = tpu.memref_slice %arg11[%dma_start3A_67, %dma_start3A_68] : memref<10000x128xf32, #tpu.memory_space<vmem_shared>> -> memref<10000x128xf32, #tpu.memory_space<vmem_shared>>
        tpu.enqueue_indirect_dma source(%arg10 : memref<80x128xf32, #tpu.memory_space<vmem>>) target(%dma_start3A_69 : memref<10000x128xf32, #tpu.memory_space<vmem_shared>>) offsets(%dma_start3A_66 : memref<80xi32, #tpu.memory_space<vmem>>) semaphore(%run_scoped3A_63 : memref<!tpu.dma_semaphore, #tpu.memory_space<semaphore_mem>>) {add = true}
        %dma_wait3A_70 = arith.constant 0 : i32
        %dma_wait3A_71 = tpu.memref_slice %arg8[%add3A_55, %dma_wait3A_70] : memref<125x80xi32, #tpu.memory_space<vmem>> -> memref<1x80xi32, #tpu.memory_space<vmem>>
        %dma_wait3A_72 = tpu.memref_squeeze %dma_wait3A_71 : memref<1x80xi32, #tpu.memory_space<vmem>> -> memref<80xi32, #tpu.memory_space<vmem>>
        %dma_wait3A_73 = arith.constant 0 : i32
        %dma_wait3A_74 = arith.constant 0 : i32
        %dma_wait3A_75 = tpu.memref_slice %arg11[%dma_wait3A_73, %dma_wait3A_74] : memref<10000x128xf32, #tpu.memory_space<vmem_shared>> -> memref<10000x128xf32, #tpu.memory_space<vmem_shared>>
        tpu.wait_indirect_dma semaphore(%run_scoped3A_63 : memref<!tpu.dma_semaphore, #tpu.memory_space<semaphore_mem>>) src(%arg10 : memref<80x128xf32, #tpu.memory_space<vmem>>) dst(%dma_wait3A_75 : memref<10000x128xf32, #tpu.memory_space<vmem_shared>>)
        tpu.yield
      }) : () -> ()
      %add3A_56 = arith.constant 3 : i32
      %add3A_57 = arith.addi %mul3A_31, %add3A_56 : i32
      %lt3A_58 = arith.constant 125 : i32
      %lt3A_59 = arith.cmpi slt, %add3A_57, %lt3A_58 : i32
      %convert_element_type3A_60 = arith.extui %lt3A_59 : i1 to i32
      %cond3A_61 = arith.constant 0 : i32
      %cond3A_62 = arith.cmpi ne, %convert_element_type3A_60, %cond3A_61 : i32
      scf.if %cond3A_62 {
        %add3A_63 = arith.constant 3 : i32
        %add3A_64 = arith.addi %mul3A_31, %add3A_63 : i32
        %mul3A_65 = arith.constant 80 : i32
        %mul3A_66 = arith.muli %add3A_64, %mul3A_65 : i32
        %dma_start3A_67 = tpu.memref_slice %arg7[%mul3A_66] : memref<10000xi32, #tpu.memory_space<vmem>> -> memref<80xi32, #tpu.memory_space<vmem>>
        %dma_start3A_68 = arith.constant 0 : i32
        %dma_start3A_69 = arith.constant 0 : i32
        %dma_start3A_70 = tpu.memref_slice %arg2[%dma_start3A_68, %dma_start3A_69] : memref<80000x128xf32, #tpu.memory_space<hbm>> -> memref<80000x128xf32, #tpu.memory_space<hbm>>
        tpu.enqueue_indirect_dma source(%dma_start3A_70 : memref<80000x128xf32, #tpu.memory_space<hbm>>) target(%arg10 : memref<80x128xf32, #tpu.memory_space<vmem>>) offsets(%dma_start3A_67 : memref<80xi32, #tpu.memory_space<vmem>>) semaphore(%arg13 : memref<!tpu.dma_semaphore, #tpu.memory_space<semaphore_mem>>)
      } else {
      }
    }
    %scan3A_18 = arith.constant 62 : i32
    %dma_wait3A = arith.constant 9920 : i32
    %dma_wait3A_19 = tpu.memref_slice %arg7[%dma_wait3A] : memref<10000xi32, #tpu.memory_space<vmem>> -> memref<80xi32, #tpu.memory_space<vmem>>
    %dma_wait3A_20 = arith.constant 0 : i32
    %dma_wait3A_21 = arith.constant 0 : i32
    %dma_wait3A_22 = tpu.memref_slice %arg2[%dma_wait3A_20, %dma_wait3A_21] : memref<80000x128xf32, #tpu.memory_space<hbm>> -> memref<80000x128xf32, #tpu.memory_space<hbm>>
    tpu.wait_indirect_dma semaphore(%arg12 : memref<!tpu.dma_semaphore, #tpu.memory_space<semaphore_mem>>) src(%dma_wait3A_22 : memref<80000x128xf32, #tpu.memory_space<hbm>>) dst(%arg9 : memref<80x128xf32, #tpu.memory_space<vmem>>)
    %run_scoped3A = arith.constant 124 : i32
    "tpu.region"() ({
      %run_scoped3A_29 = tpu.sem_alloc : memref<!tpu.dma_semaphore, #tpu.memory_space<semaphore_mem>>
      %dma_start3A_30 = arith.constant 0 : i32
      %dma_start3A_31 = tpu.memref_slice %arg8[%run_scoped3A, %dma_start3A_30] : memref<125x80xi32, #tpu.memory_space<vmem>> -> memref<1x80xi32, #tpu.memory_space<vmem>>
      %dma_start3A_32 = tpu.memref_squeeze %dma_start3A_31 : memref<1x80xi32, #tpu.memory_space<vmem>> -> memref<80xi32, #tpu.memory_space<vmem>>
      %dma_start3A_33 = arith.constant 0 : i32
      %dma_start3A_34 = arith.constant 0 : i32
      %dma_start3A_35 = tpu.memref_slice %arg11[%dma_start3A_33, %dma_start3A_34] : memref<10000x128xf32, #tpu.memory_space<vmem_shared>> -> memref<10000x128xf32, #tpu.memory_space<vmem_shared>>
      tpu.enqueue_indirect_dma source(%arg9 : memref<80x128xf32, #tpu.memory_space<vmem>>) target(%dma_start3A_35 : memref<10000x128xf32, #tpu.memory_space<vmem_shared>>) offsets(%dma_start3A_32 : memref<80xi32, #tpu.memory_space<vmem>>) semaphore(%run_scoped3A_29 : memref<!tpu.dma_semaphore, #tpu.memory_space<semaphore_mem>>) {add = true}
      %dma_wait3A_36 = arith.constant 0 : i32
      %dma_wait3A_37 = tpu.memref_slice %arg8[%run_scoped3A, %dma_wait3A_36] : memref<125x80xi32, #tpu.memory_space<vmem>> -> memref<1x80xi32, #tpu.memory_space<vmem>>
      %dma_wait3A_38 = tpu.memref_squeeze %dma_wait3A_37 : memref<1x80xi32, #tpu.memory_space<vmem>> -> memref<80xi32, #tpu.memory_space<vmem>>
      %dma_wait3A_39 = arith.constant 0 : i32
      %dma_wait3A_40 = arith.constant 0 : i32
      %dma_wait3A_41 = tpu.memref_slice %arg11[%dma_wait3A_39, %dma_wait3A_40] : memref<10000x128xf32, #tpu.memory_space<vmem_shared>> -> memref<10000x128xf32, #tpu.memory_space<vmem_shared>>
      tpu.wait_indirect_dma semaphore(%run_scoped3A_29 : memref<!tpu.dma_semaphore, #tpu.memory_space<semaphore_mem>>) src(%arg9 : memref<80x128xf32, #tpu.memory_space<vmem>>) dst(%dma_wait3A_41 : memref<10000x128xf32, #tpu.memory_space<vmem_shared>>)
      tpu.yield
    }) : () -> ()
    %barrier3A_23 = arith.constant 0 : index
    tpu.barrier barrier_id(%barrier3A_23)
    %lt3A_24 = arith.constant 10 : i32
    %lt3A_25 = arith.cmpi slt, %arg1, %lt3A_24 : i32
    %convert_element_type3A_26 = arith.extui %lt3A_25 : i1 to i32
    %cond3A_27 = arith.constant 0 : i32
    %cond3A_28 = arith.cmpi ne, %convert_element_type3A_26, %cond3A_27 : i32
    scf.if %cond3A_28 {
      %mul3A_29 = arith.constant 1000 : i32
      %mul3A_30 = arith.muli %arg1, %mul3A_29 : i32
      %mul3A_31 = arith.constant 1000 : i32
      %mul3A_32 = arith.muli %arg1, %mul3A_31 : i32
      "tpu.region"() ({
        %run_scoped3A_33 = tpu.sem_alloc : memref<!tpu.dma_semaphore, #tpu.memory_space<semaphore_mem>>
        %dma_start3A_34 = arith.constant 0 : i32
        %dma_start3A_35 = tpu.memref_slice %arg6[%arg0, %mul3A_32, %dma_start3A_34] : memref<2x10000x128xf32, #tpu.memory_space<hbm>> -> memref<1x1000x128xf32, #tpu.memory_space<hbm>>
        %dma_start3A_36 = tpu.memref_squeeze %dma_start3A_35 : memref<1x1000x128xf32, #tpu.memory_space<hbm>> -> memref<1000x128xf32, #tpu.memory_space<hbm>>
        %dma_start3A_37 = arith.constant 0 : i32
        %dma_start3A_38 = tpu.memref_slice %arg11[%mul3A_30, %dma_start3A_37] : memref<10000x128xf32, #tpu.memory_space<vmem_shared>> -> memref<1000x128xf32, #tpu.memory_space<vmem_shared>>
        tpu.enqueue_dma source(%dma_start3A_38 : memref<1000x128xf32, #tpu.memory_space<vmem_shared>>) target(%dma_start3A_36 : memref<1000x128xf32, #tpu.memory_space<hbm>>) target_semaphore(%run_scoped3A_33 : memref<!tpu.dma_semaphore, #tpu.memory_space<semaphore_mem>>)
        %dma_wait3A_39 = arith.constant 0 : i32
        %dma_wait3A_40 = tpu.memref_slice %arg6[%arg0, %mul3A_32, %dma_wait3A_39] : memref<2x10000x128xf32, #tpu.memory_space<hbm>> -> memref<1x1000x128xf32, #tpu.memory_space<hbm>>
        %dma_wait3A_41 = tpu.memref_squeeze %dma_wait3A_40 : memref<1x1000x128xf32, #tpu.memory_space<hbm>> -> memref<1000x128xf32, #tpu.memory_space<hbm>>
        %dma_wait3A_42 = arith.constant 0 : i32
        %dma_wait3A_43 = tpu.memref_slice %arg11[%mul3A_30, %dma_wait3A_42] : memref<10000x128xf32, #tpu.memory_space<vmem_shared>> -> memref<1000x128xf32, #tpu.memory_space<vmem_shared>>
        tpu.wait_dma2 semaphore(%run_scoped3A_33 : memref<!tpu.dma_semaphore, #tpu.memory_space<semaphore_mem>>) src(%dma_wait3A_43 : memref<1000x128xf32, #tpu.memory_space<vmem_shared>>) dst(%dma_wait3A_41 : memref<1000x128xf32, #tpu.memory_space<hbm>>)
        tpu.yield
      }) : () -> ()
    } else {
    }
    return
  }
}

module attributes {stable_mosaic.version = 14 : i64} {
  func.func @_mm_body(%arg0: i32, %arg1: memref<10000x128xf32, #tpu.memory_space<vmem>>, %arg2: memref<1x128x128xf32, #tpu.memory_space<vmem>>, %arg3: memref<2500x128xi32, #tpu.memory_space<vmem>>, %arg4: memref<2500x128xi32, #tpu.memory_space<vmem>>, %arg5: memref<10000x128xf32, #tpu.memory_space<vmem>>, %arg6: memref<2500x128xi32, #tpu.memory_space<vmem>>) attributes {dimension_semantics = [#tpu.dimension_semantics<arbitrary>], iteration_bounds = array<i64: 8>, scalar_prefetch = 0 : i64, scratch_operands = 0 : i64, tpu.core_type = #tpu.core_type<tc>, window_params = [{pipeline_mode = #tpu.pipeline_mode<synchronous>, transform_indices = @transform_0, window_bounds = array<i64: 10000, 128>}, {transform_indices = @transform_1, window_bounds = array<i64: 1, 128, 128>}, {pipeline_mode = #tpu.pipeline_mode<synchronous>, transform_indices = @transform_2, window_bounds = array<i64: 2500, 128>}, {pipeline_mode = #tpu.pipeline_mode<synchronous>, transform_indices = @transform_3, window_bounds = array<i64: 2500, 128>}, {transform_indices = @transform_4, window_bounds = array<i64: 10000, 128>}, {pipeline_mode = #tpu.pipeline_mode<synchronous>, transform_indices = @transform_5, window_bounds = array<i64: 2500, 128>}]} {
    %eq3A = arith.constant 0 : i32
    %eq3A_0 = arith.cmpi eq, %arg0, %eq3A : i32
    %convert_element_type3A = arith.extui %eq3A_0 : i1 to i32
    %cond3A = arith.constant 0 : i32
    %cond3A_1 = arith.cmpi ne, %convert_element_type3A, %cond3A : i32
    scf.if %cond3A_1 {
      %get3A_12 = arith.constant 0 : index
      %get3A_13 = arith.constant 0 : index
      %get3A_14 = vector.load %arg4[%get3A_12, %get3A_13] : memref<2500x128xi32, #tpu.memory_space<vmem>>, vector<2500x128xi32>
      %mul3A = arith.constant 10000 : i32
      %mul3A_15 = vector.broadcast %mul3A : i32 to vector<2500x128xi32>
      %mul3A_16 = arith.muli %get3A_14, %mul3A_15 : vector<2500x128xi32>
      %get3A_17 = arith.constant 0 : index
      %get3A_18 = arith.constant 0 : index
      %get3A_19 = vector.load %arg3[%get3A_17, %get3A_18] : memref<2500x128xi32, #tpu.memory_space<vmem>>, vector<2500x128xi32>
      %add3A = arith.addi %mul3A_16, %get3A_19 : vector<2500x128xi32>
      %swap3A_20 = arith.constant 0 : index
      %swap3A_21 = arith.constant 0 : index
      %swap3A_22 = vector.load %arg6[%swap3A_20, %swap3A_21] : memref<2500x128xi32, #tpu.memory_space<vmem>>, vector<2500x128xi32>
      tpu.vector_store %arg6[%swap3A_20, %swap3A_21], %add3A {strides = array<i32>} : memref<2500x128xi32, #tpu.memory_space<vmem>>, vector<2500x128xi32>,
    } else {
    }
    %get3A = arith.constant 0 : index
    %get3A_2 = arith.constant 0 : index
    %get3A_3 = vector.load %arg1[%get3A, %get3A_2] : memref<10000x128xf32, #tpu.memory_space<vmem>>, vector<10000x128xf32>
    %get3A_4 = arith.constant 0 : index
    %get3A_5 = arith.constant 0 : index
    %get3A_6 = arith.constant 0 : index
    %get3A_7 = vector.load %arg2[%get3A_4, %get3A_5, %get3A_6] : memref<1x128x128xf32, #tpu.memory_space<vmem>>, vector<1x128x128xf32>
    %get3A_8 = vector.shape_cast %get3A_7 : vector<1x128x128xf32> to vector<128x128xf32>
    %dot_general3A = arith.constant dense<0.000000e+00> : vector<10000x128xf32>
    %dot_general3A_9 = tpu.matmul %get3A_3, %get3A_8, %dot_general3A {dimension_numbers = #tpu.dot_dimension_numbers<[1], [1], [0], [0], [0, 0, 1, 0], [], []>, transpose_lhs_hint = false} : vector<10000x128xf32>, vector<128x128xf32>, vector<10000x128xf32> -> vector<10000x128xf32>
    %swap3A = arith.constant 0 : index
    %swap3A_10 = arith.constant 0 : index
    %swap3A_11 = vector.load %arg5[%swap3A, %swap3A_10] : memref<10000x128xf32, #tpu.memory_space<vmem>>, vector<10000x128xf32>
    tpu.vector_store %arg5[%swap3A, %swap3A_10], %dot_general3A_9 {strides = array<i32>} : memref<10000x128xf32, #tpu.memory_space<vmem>>, vector<10000x128xf32>,
    return
  }
  func.func @transform_0(%arg0: i32) -> (i32, i32) {
    %c0_i32 = arith.constant 0 : i32
    %c0_i32_0 = arith.constant 0 : i32
    %c0_i32_1 = arith.constant 0 : i32
    return %c0_i32, %c0_i32_0 : i32, i32
  }
  func.func @transform_1(%arg0: i32) -> (i32, i32, i32) {
    %c0_i32 = arith.constant 0 : i32
    %c0_i32_0 = arith.constant 0 : i32
    %c0_i32_1 = arith.constant 0 : i32
    return %arg0, %c0_i32, %c0_i32_0 : i32, i32, i32
  }
  func.func @transform_2(%arg0: i32) -> (i32, i32) {
    %c0_i32 = arith.constant 0 : i32
    %c0_i32_0 = arith.constant 0 : i32
    %c0_i32_1 = arith.constant 0 : i32
    return %c0_i32, %c0_i32_0 : i32, i32
  }
  func.func @transform_3(%arg0: i32) -> (i32, i32) {
    %c0_i32 = arith.constant 0 : i32
    %c0_i32_0 = arith.constant 0 : i32
    %c0_i32_1 = arith.constant 0 : i32
    return %c0_i32, %c0_i32_0 : i32, i32
  }
  func.func @transform_4(%arg0: i32) -> (i32, i32) {
    %c0_i32 = arith.constant 0 : i32
    %c0_i32_0 = arith.constant 0 : i32
    return %arg0, %c0_i32 : i32, i32
  }
  func.func @transform_5(%arg0: i32) -> (i32, i32) {
    %c0_i32 = arith.constant 0 : i32
    %c0_i32_0 = arith.constant 0 : i32
    %c0_i32_1 = arith.constant 0 : i32
    return %c0_i32, %c0_i32_0 : i32, i32
  }
}

module attributes {stable_mosaic.version = 14 : i64} {
  func.func @_add_body(%arg0: i32, %arg1: memref<1x1000x128xf32, #tpu.memory_space<vmem>>, %arg2: memref<1x1000x128xf32, #tpu.memory_space<vmem>>, %arg3: memref<1000x128xf32, #tpu.memory_space<vmem>>) attributes {dimension_semantics = [#tpu.dimension_semantics<arbitrary>], iteration_bounds = array<i64: 10>, scalar_prefetch = 0 : i64, scratch_operands = 0 : i64, tpu.core_type = #tpu.core_type<tc>, window_params = [{transform_indices = @transform_0, window_bounds = array<i64: 1, 1000, 128>}, {transform_indices = @transform_1, window_bounds = array<i64: 1, 1000, 128>}, {transform_indices = @transform_2, window_bounds = array<i64: 1000, 128>}]} {
    %get3A = arith.constant 0 : index
    %get3A_0 = arith.constant 0 : index
    %get3A_1 = arith.constant 0 : index
    %get3A_2 = vector.load %arg1[%get3A, %get3A_0, %get3A_1] : memref<1x1000x128xf32, #tpu.memory_space<vmem>>, vector<1x1000x128xf32>
    %get3A_3 = vector.shape_cast %get3A_2 : vector<1x1000x128xf32> to vector<1000x128xf32>
    %get3A_4 = arith.constant 0 : index
    %get3A_5 = arith.constant 0 : index
    %get3A_6 = arith.constant 0 : index
    %get3A_7 = vector.load %arg2[%get3A_4, %get3A_5, %get3A_6] : memref<1x1000x128xf32, #tpu.memory_space<vmem>>, vector<1x1000x128xf32>
    %get3A_8 = vector.shape_cast %get3A_7 : vector<1x1000x128xf32> to vector<1000x128xf32>
    %add3A = arith.addf %get3A_3, %get3A_8 : vector<1000x128xf32>
    %swap3A = arith.constant 0 : index
    %swap3A_9 = arith.constant 0 : index
    %swap3A_10 = vector.load %arg3[%swap3A, %swap3A_9] : memref<1000x128xf32, #tpu.memory_space<vmem>>, vector<1000x128xf32>
    tpu.vector_store %arg3[%swap3A, %swap3A_9], %add3A {strides = array<i32>} : memref<1000x128xf32, #tpu.memory_space<vmem>>, vector<1000x128xf32>,
    return
  }
  func.func @transform_0(%arg0: i32) -> (i32, i32, i32) {
    %c0_i32 = arith.constant 0 : i32
    %c0_i32_0 = arith.constant 0 : i32
    %c0_i32_1 = arith.constant 0 : i32
    return %c0_i32, %arg0, %c0_i32_0 : i32, i32, i32
  }
  func.func @transform_1(%arg0: i32) -> (i32, i32, i32) {
    %c1_i32 = arith.constant 1 : i32
    %c0_i32 = arith.constant 0 : i32
    %c0_i32_0 = arith.constant 0 : i32
    return %c1_i32, %arg0, %c0_i32 : i32, i32, i32
  }
  func.func @transform_2(%arg0: i32) -> (i32, i32) {
    %c0_i32 = arith.constant 0 : i32
    %c0_i32_0 = arith.constant 0 : i32
    return %arg0, %c0_i32 : i32, i32
  }
}

</mosaic_0001>

<sc_bundles>
// kernel: kernel.5.cloned.1.call-start
scs
__scs_entry_jumppad:
0x0: {  	(pc) =	sbr.rel $0x88, $3  }
0x1: {  	(tag) =	ssettag $0x0;
	lr =	simm.s32 $0x1  }
0x2: {  	[smem:$0x3F9D] =	sst lr;
	_ =	strace $0xD0000000  }
0x3: {  	_ = 	snop  }
0x4: {  	_ = 	snop  }
0x5: {  	_ = 	snop  }
0x6: {  	_ = 	snop  }
0x7: {  	_ = 	snop  }
__scs_overlays_trampoline_lowered:
0x8: {  	[smem:$0x3FAC] =	sst s0  }
0x9: {  	[smem:$0x3FAD] =	sst s1  }
0xa: {  	[smem:$0x3FAE] =	sst s2  }
0xb: {  	[smem:$0x3FAF] =	sst s3  }
0xc: {  	[smem:$0x3FB0] =	sst s4  }
0xd: {  	[smem:$0x3FB1] =	sst s5  }
0xe: {  	[smem:$0x3FB2] =	sst s6  }
0xf: {  	[smem:$0x3FB3] =	sst s7  }
0x10: {  	[smem:$0x3FB4] =	sst s8  }
0x11: {  	[smem:$0x3FB5] =	sst s9;
	s0 =	simm.s32 @!p0 $0x0  }
0x12: {  	s1 =	sld [smem:$0x3F9B];
	s0 =	simm.s32 @p0 $0x1  }
0x13: {  	[smem:$0x3FB6] =	sst s0;
	s0 =	simm.s32 @!p1 $0x0  }
0x14: {  	s2 =	sld [smem:$0x3F9A];
	s0 =	simm.s32 @p1 $0x1  }
0x15: {  	[smem:$0x3FB7] =	sst s0;
	s0 =	simm.s32 @!p2 $0x0  }
0x16: {  	s3 =	sld [smem:$0x3FDB];
	s0 =	simm.s32 @p2 $0x1  }
0x17: {  	s4 =	simm.s32 $0x1BF5;
	[smem:$0x3FB9] =	sst s0  }
0x18: {  	s0 =	sld [smem:$0x3F9C];
	_ =	swait.ge [sflag:s4], $0x0  }
0x19: {  	s7 =	sld [smem:$0x3F9D]  }
0x1a: {  	s8 =	sadd.s32 $0xFFFFE003, lr  }
0x1b: {  	s9 =	sadd.s32 $0xFFFFFEF7, lr;
	s5 =	simm.s32 $0xFFFFFFFF;
	p2 =	slt.u32 s8, $0xFFFFF086  }
0x1c: {  	p1 =	slt.u32 s9, $0xF7A;
	s5 =	simm.s32 @!p2 $0x0  }
0x1d: {  	s5 =	simm.s32 @p1 $0x1;
	p0 =	seq.s32 s7, s2  }
0x1e: {  	s7 =	smul.u32 @!p0 $0xF7A, s2;
	p2 =	seq.s32 @!p0 s5, $0x0  }
0x1f: {  	s9 =	smul.u32 $0xF7A, s1;
	s8 =	simm.s32 @!p0 $0x1BF5;
	p2 =	por !p2, p0  }
0x20: {  	[sflag:s8] =	ssyncset.s32 @!p0 $0xFFFFF086;
	s6 =	sadd.s32 @!p0 s3, s7;
	s7 =	simm.s32 @!p0 $0x108  }
0x21: {  	s3 =	sadd.s32 s3, s9;
	s6 =	sadd.s32 @!p0 $0x88, s6;
	s7 =	simm.s32 @p2 $0x1082  }
0x22: {  	[simem:s7], [sflag:s8] =	dma.local @!p0 [hbm:s6], $0xF7A  }
0x23: {  	s9 =	sor.u32 $0xD0000000, s2;
	s6 =	simm.s32 $0x108;
	_ =	swait.ge @!p0 [sflag:s8], $0x0  }
0x24: {  	s3 =	sadd.s32 $0x88, s3;
	s6 =	simm.s32 @!p1 $0x1082;
	[sflag:s4] =	ssyncset.s32 $0xFFFFF086  }
0x25: {  	[simem:s6], [sflag:s4] =	dma.local [hbm:s3], $0xF7A  }
0x26: {  	[smem:$0x3F9D] =	sst s1;
	(tag) =	ssettag s2;
	_ =	strace s9  }
0x27: {  	s1 =	sld [smem:$0x3FAD]  }
0x28: {  	s2 =	sld [smem:$0x3FAE]  }
0x29: {  	s4 =	sld [smem:$0x3FB0]  }
0x2a: {  	p0 =	seq.s32 s5, $0x0;
	s5 =	sld [smem:$0x3FB1]  }
0x2b: {  	s6 =	sld [smem:$0x3FB2]  }
0x2c: {  	s7 =	sld [smem:$0x3FB3]  }
0x2d: {  	s3 =	simm.s32 $0x108;
	s8 =	sld [smem:$0x3FB4]  }
0x2e: {  	s3 =	simm.s32 @!p0 $0x1082;
	s9 =	sld [smem:$0x3FB5]  }
0x2f: {  	lr =	sadd.s32 s0, s3;
	s0 =	sld [smem:$0x3FAC]  }
0x30: {  	s3 =	sld [smem:$0x3FAF]  }
0x31: {  	[smem:$0x3FB8] =	sst s10  }
0x32: {  	s10 =	sld [smem:$0x3FB6];
	_ =	sdelay $0x3  }
0x33: {  	p0 =	seq.s32 s10, $0x1;
	s10 =	sld [smem:$0x3FB8];
	_ =	sdelay $0x3  }
0x34: {  	[smem:$0x3FB8] =	sst s10  }
0x35: {  	s10 =	sld [smem:$0x3FB7];
	_ =	sdelay $0x3  }
0x36: {  	p1 =	seq.s32 s10, $0x1;
	s10 =	sld [smem:$0x3FB8];
	_ =	sdelay $0x3  }
0x37: {  	[smem:$0x3FB8] =	sst s10  }
0x38: {  	s10 =	sld [smem:$0x3FB9]  }
0x39: {  	_ = 	snop;
	(pc) =	sbr.ind lr, $3  }
0x3a: {  	_ = 	snop  }
0x3b: {  	_ = 	snop  }
0x3c: {  	p2 =	seq.s32 s10, $0x1;
	s10 =	sld [smem:$0x3FB8]  }
0x3d: {  	_ =	shalt  }
0x3e: {  	_ =	shalt  }
0x3f: {  	_ =	shalt  }
0x40: {  	_ =	shalt  }
0x41: {  	_ =	shalt  }
0x42: {  	_ =	shalt  }
0x43: {  	_ =	shalt  }
0x44: {  	_ =	shalt  }
0x45: {  	_ =	shalt  }
0x46: {  	_ =	shalt  }
0x47: {  	_ =	shalt  }
0x48: {  	_ =	shalt  }
0x49: {  	_ =	shalt  }
0x4a: {  	_ =	shalt  }
0x4b: {  	_ =	shalt  }
0x4c: {  	_ =	shalt  }
0x4d: {  	_ =	shalt  }
0x4e: {  	_ =	shalt  }
0x4f: {  	_ =	shalt  }
0x50: {  	_ =	shalt  }
0x51: {  	_ =	shalt  }
0x52: {  	_ =	shalt  }
0x53: {  	_ =	shalt  }
0x54: {  	_ =	shalt  }
0x55: {  	_ =	shalt  }
0x56: {  	_ =	shalt  }
0x57: {  	_ =	shalt  }
0x58: {  	_ =	shalt  }
0x59: {  	_ =	shalt  }
0x5a: {  	_ =	shalt  }
0x5b: {  	_ =	shalt  }
0x5c: {  	_ =	shalt  }
0x5d: {  	_ =	shalt  }
0x5e: {  	_ =	shalt  }
0x5f: {  	_ =	shalt  }
0x60: {  	_ =	shalt  }
0x61: {  	_ =	shalt  }
0x62: {  	_ =	shalt  }
0x63: {  	_ =	shalt  }
0x64: {  	_ =	shalt  }
0x65: {  	_ =	shalt  }
0x66: {  	_ =	shalt  }
0x67: {  	_ =	shalt  }
0x68: {  	_ =	shalt  }
0x69: {  	_ =	shalt  }
0x6a: {  	_ =	shalt  }
0x6b: {  	_ =	shalt  }
0x6c: {  	_ =	shalt  }
0x6d: {  	_ =	shalt  }
0x6e: {  	_ =	shalt  }
0x6f: {  	_ =	shalt  }
0x70: {  	_ =	shalt  }
0x71: {  	_ =	shalt  }
0x72: {  	_ =	shalt  }
0x73: {  	_ =	shalt  }
0x74: {  	_ =	shalt  }
0x75: {  	_ =	shalt  }
0x76: {  	_ =	shalt  }
0x77: {  	_ =	shalt  }
0x78: {  	_ =	shalt  }
0x79: {  	_ =	shalt  }
0x7a: {  	_ =	shalt  }
0x7b: {  	_ =	shalt  }
0x7c: {  	_ =	shalt  }
0x7d: {  	_ =	shalt  }
0x7e: {  	_ =	shalt  }
0x7f: {  	_ =	shalt  }
0x80: {  	_ =	shalt  }
0x81: {  	_ =	shalt  }
0x82: {  	_ =	shalt  }
0x83: {  	_ =	shalt  }
0x84: {  	_ =	shalt  }
0x85: {  	_ =	shalt  }
0x86: {  	_ =	shalt  }
0x87: {  	_ =	shalt  }
.Lfunc_end0:
.L_simem_size_0:
called_computation_lowered:
.L_overlay_start_0:
0x88: {  	s2 =	sld [smem:$0x3FD9]  }
0x89: {  	s3 =	sld [smem:$0x3FFE];
	_ =	sdelay $0x1  }
0x8a: {  	s1 =	srdreg.scid  }
0x8b: {  	s0 =	sand.u32 $0x1, s1  }
0x8c: {  	s17 =	sshll.u32 s0, $0xA;
	s2 =	sadd.s32 s3, s2  }
0x8d: {  	s2 =	sadd.s32 s2, s17  }
0x8e: {  	[smem:$0x3FC4] =	sst s2  }
0x8f: {  	_ = 	snop  }
0x90: {  	s2 =	sld [smem:$0x3FD0];
	(tm) =	ssettm $0x1  }
0x91: {  	s18 =	sld [smem:$0x3FFB];
	_ =	sdelay $0x3  }
0x92: {  	_ =	strace s18  }
0x93: {  	s3 =	sld [smem:$0x3FFC];
	_ =	sdelay $0x3  }
0x94: {  	_ =	strace s3  }
0x95: {  	s3 =	sld [smem:$0x3FFD];
	_ =	sdelay $0x3  }
0x96: {  	_ =	strace s3  }
0x97: {  	_ =	strace $0x8FFFFFFF  }
0x98: {  	s19 =	sld [smem:$0x3FDB];
	_ =	sdelay $0x1  }
0x99: {  	s4 =	simm.s32 $_scs_section_size  }
0x9a: {  	s5 =	simm.s32 $_size__tile_overlayer_lowered;
	s6 =	simm.s32 $_tile_overlayer_lowered  }
0x9b: {  	s22 =	simm.s32 $0x1BFF;
	s21 =	sshll.u32 s6, $0x1;
	s3 =	sadd.s32 s4, s19  }
0x9c: {  	s7 =	simm.s32 $0x0;
	s20 =	sshll.u32 s5, $0x1;
	s5 =	sadd.s32 s21, s3  }
0x9d: {  	[timem:s7], [sflag:s22] =	dma.local [hbm:s5], s20  }
0x9e: {  	_ =	swait.ge [sflag:s22], s20  }
0x9f: {  	s4 =	ssub.s32 $0x0, s20;
	[sflag:s22] =	ssyncset.done $0x0  }
0xa0: {  	[sflag:s22] =	ssyncadd.s32 s4;
	_ =	sdelay $0x1  }
0xa1: {  	s23 =	simm.s32 $0x1B8B  }
0xa2: {  	_ =	swait.ge [sflag:s23], $0x1  }
0xa3: {  	[sflag:s23] =	ssyncset.done $0x0  }
0xa4: {  	s25 =	simm.s32 $0x1B8E;
	s24 =	sld [smem:$0x3FFE];
	[sflag:s23] =	ssyncadd.s32 $0xFFFFFFFF  }
0xa5: {  	s26 =	simm.s32 $execute0_lowered;
	[smem:$0x3FD2] =	sst s25  }
0xa6: {  	s5 =	sshll.u32 s26, $0x1;
	_ =	strace $0x80000046;
	[dreg:$0x1] =	wrdreg $0xFFFFFFFF  }
0xa7: {  	s28 =	simm.s32 $_size_execute0_lowered;
	s3 =	sadd.s32 s3, s5;
	[dreg:$0x0] =	wrdreg $0x0  }
0xa8: {  	s5 =	sshll.u32 s28, $0x1;
	[dreg:$0x2] =	wrdreg s3  }
0xa9: {  	[dreg:$0x3] =	wrdreg s5  }
0xaa: {  	[dreg:$0x4] =	wrdreg $0xC0  }
0xab: {  	_ =	task [dreg:s7], $0x5FFFF  }
0xac: {  	[dreg:$0x1] =	wrdreg $0xFFFFFFFF  }
0xad: {  	[dreg:$0x0] =	wrdreg $0x60  }
0xae: {  	[dreg:$0x2] =	wrdreg s24  }
0xaf: {  	[dreg:$0x3] =	wrdreg s2  }
0xb0: {  	[dreg:$0x4] =	wrdreg $0xB7800  }
0xb1: {  	[dreg:$0x5] =	wrdreg $0x9  }
0xb2: {  	_ =	task.clear_ibuf [dreg:s7], $0x6FFFF;
	_ =	strace $0x90000046  }
0xb3: {  	s29 =	simm.s32 $0x9;
	_ =	strace $0x80000048  }
0xb4: {  	_ =	swait.ge [sflag:s29], $0x1  }
0xb5: {  	[sflag:s29] =	ssyncadd.s32 $0xFFFFFFFF  }
0xb6: {  	_ =	strace $0x90000048  }
0xb7: {  	_ =	sfence  }
0xb8: {  	s30 =	sld [smem:$0x0];
	_ =	sdelay $0x2  }
0xb9: {  	s31 =	sshll.u32 s1, $0xD;
	s1 =	sshrl.u32 s1, $0x2  }
0xba: {  	s3 =	sand.u32 $0x4000, s31;
	s1 =	sadd.s32 s1, s30  }
0xbb: {  	s0 =	sor.u32 s3, s0;
	s1 =	sshll.u32 s1, $0x11  }
0xbc: {  	s0 =	sor.u32 s1, s0  }
0xbd: {  	s0 =	sadd.s32 $0x8F2B, s0  }
0xbe: {  	[sflag:s0] =	ssyncadd.remote.s32 $0x1  }
0xbf: {  	_ =	sfence.sel $0xFFFF  }
0xc0: {  	[dreg:$0x0] =	wrdreg $0xFFFFFFFF;
	(pc) =	sbr.abs _section_cstart, $3  }
0xc1: {  	[dreg:$0x1] =	wrdreg $0xFFFFFFFF  }
0xc2: {  	_ =	task.clear_ibuf [dreg:s7], $0x2FFFF;
	_ =	strace $0x9FFFFFFF  }
0xc3: {  	(tm) =	ssettm $0x7FFFFFFF  }
tec
execute0_lowered:
.L_overlay_start_1:
0x0: {  	(tag) =	ssettag $0x1  }
0x1: {  	s6 =	rddreg [dreg:$0x0]  }
0x2: {  	s7 =	rddreg [dreg:$0x1]  }
0x3: {  	s0 =	srdreg.scid;
	s2 =	rddreg [dreg:$0x2];
	s3 =	simm.s32 $0x0  }
0x4: {  	s14 =	simm.s32 $0x8F80;
	s17 =	simm.s32 $0x1;
	s18 =	simm.s32 $0x2  }
0x5: {  	s19 =	simm.s32 $0x6480;
	s20 =	simm.s32 $0x26C0;
	s5 =	sand.u32 $0x1, s0  }
0x6: {  	s21 =	simm.s32 $0x6500;
	s0 =	stileid.u32;
	s10 =	smul.u32 $0x138800, s5  }
0x7: {  	s22 =	simm.s32 $0x6580;
	s23 =	simm.s32 $0x0;
	s11 =	smul.u32 $0x1F400, s0  }
0x8: {  	[smem:$0x7FF] =	sst s3;
	s4 =	sadd.s32 $0x10800, s6;
	s29 =	smul.u32 $0x7D000, s0  }
0x9: {  	s1 =	sshll.u32 s5, $0x4;
	s5 =	ssub.s32 $0x2, s5;
	s12 =	smul.u32 $0x3E80, s0  }
0xa: {  	p0 =	sgt.u32 s0, $0x9;
	s8 =	sor.u32 s0, s1;
	s1 =	rddreg [dreg:$0x3]  }
0xb: {  	_ =	strace $0x80000047;
	s30 =	sshrl.u32 s5, $0x1;
	s15 =	sshll.u32 @!p0 s0, $0x6  }
0xc: {  	s9 =	smul.u32 $0x4E2, s8;
	s8 =	sshll.u32 s8, $0xB;
	s10 =	sadd.s32 s11, s10  }
0xd: {  	s13 =	ssub.s32 s5, s30;
	s31 =	sshrl.u32 s29, $0x2;
	s7 =	sadd.s32 s7, s12  }
0xe: {  	s11 =	simm.s32 $0x2780;
	s12 =	simm.s32 $0x50;
	s15 =	sor.u32 @!p0 $0x1C03, s15  }
0xf: {  	s8 =	sadd.s32 s8, s6;
	s10 =	sshrl.u32 s10, $0x3;
	s16 =	sadd.s32 s31, s2  }
0x10: {  	s9 =	sadd.s32 s9, s6;
	s10 =	sadd.s32 s10, s6;
	s6 =	sadd.s32 $0x800, s8  }
0x11: {  	s16 =	sshrl.u32 @!p0 s16, $0x3;
	s5 =	sadd.s32 $0x149000, s9;
	s8 =	sadd.s32 $0x152E00, s10  }
0x12: {  	s9 =	smax.u32 s13, $0x1;
	s10 =	simm.s32 $0x3;
	s13 =	simm.s32 $0x6780  }
.LBB2_1:
0x13: {  	[tilespmem:s3], [sflag:$0x3] =	stream.linear.gather [hbm4b:s5+s3], $0x2710, $0x38;
	[tilespmem:$0x1F000] =	vst v63  }
0x14: {  	_ =	swait.ge [sflag:s10], $0x2710  }
0x15: {  	[sflag:s10] =	ssyncset.done $0x0  }
0x16: {  	[sflag:s10] =	ssyncadd.s32 $0xFFFFD8F0  }
0x17: {  	[tilespmem:s11], [sflag:$0x3] =	stream.linear.gather [hbm4b:s6+s3], $0x3E80, $0x38;
	[tilespmem:$0x1F000] =	vst v63  }
0x18: {  	_ =	swait.ge [sflag:s10], $0x3E80  }
0x19: {  	[sflag:s10] =	ssyncset.done $0x0  }
0x1a: {  	[sflag:s10] =	ssyncadd.s32 $0xFFFFC180  }
0x1b: {  	[tilespmem:s13], [sflag:$0x1] =	stream.indirect.gather [hbm4b:s4+s12], $0x80, s3, s12, $0xb8;
	[tilespmem:$0x1F000] =	vst v63  }
0x1c: {  	s24 =	simm.s32 @!p0 $0x3  }
0x1d: {  	[tilespmem:s14], [sflag:$0x2] =	stream.indirect.gather [hbm4b:s4+s12], $0x80, s12, s12, $0xb8;
	[tilespmem:$0x1F000] =	vst v63  }
0x1e: {  	[spmem:s16], [sflag:s15] =	dma.local @!p0 [hbm:s7], $0x3E80  }
0x1f: {  	_ =	swait.ge @!p0 [sflag:s24], $0x3E80  }
0x20: {  	[sflag:s24] =	ssyncset.done @!p0 $0x0  }
0x21: {  	[sflag:s24] =	ssyncadd.s32 @!p0 $0xFFFFC180  }
0x22: {  	[bflag:$0x0] =	sbarrier.arrive $0xFFFF  }
0x23: {  	_ =	swait.ge [sflag:s17], $0x2800  }
0x24: {  	[sflag:s17] =	ssyncset.done $0x0  }
0x25: {  	s29 =	simm.s32 $0x2780;
	[sflag:s17] =	ssyncadd.s32 $0xFFFFD800  }
0x26: {  	[spmem:s2] =	stream.indirect.scatter.add.f32 [tilespmem:s13], [sflag:$0x3], $0x80, s29, s12, $0xb8;
	[tilespmem:$0x1F000] =	vst v63  }
0x27: {  	_ =	swait.ge [sflag:s10], $0x2800  }
0x28: {  	[sflag:s10] =	ssyncset.done $0x0  }
0x29: {  	s30 =	simm.s32 $0xA0;
	[sflag:s10] =	ssyncadd.s32 $0xFFFFD800  }
0x2a: {  	[tilespmem:s13], [sflag:$0x1] =	stream.indirect.gather [hbm4b:s4+s12], $0x80, s30, s12, $0xb8;
	[tilespmem:$0x1F000] =	vst v63  }
0x2b: {  	_ =	swait.ge [sflag:s18], $0x2800  }
0x2c: {  	[sflag:s18] =	ssyncset.done $0x0  }
0x2d: {  	s31 =	simm.s32 $0x2800;
	[sflag:s18] =	ssyncadd.s32 $0xFFFFD800  }
0x2e: {  	[spmem:s2] =	stream.indirect.scatter.add.f32 [tilespmem:s14], [sflag:$0x3], $0x80, s31, s12, $0xb8;
	[tilespmem:$0x1F000] =	vst v63  }
0x2f: {  	_ =	swait.ge [sflag:s10], $0x2800  }
0x30: {  	s25 =	simm.s32 $0x400;
	[sflag:s10] =	ssyncset.done $0x0  }
0x31: {  	s26 =	simm.s32 $0x190;
	s24 =	simm.s32 $0xF0;
	[sflag:s10] =	ssyncadd.s32 $0xFFFFD800  }
.LBB2_2:
0x32: {  	[tilespmem:s14], [sflag:$0x2] =	stream.indirect.gather [hbm4b:s4+s12], $0x80, s24, s12, $0xb8;
	[tilespmem:$0x1F000] =	vst v63  }
0x33: {  	s28 =	smov.u32 s25;
	s24 =	smov.u32 s26  }
0x34: {  	p1 =	sne.s32 s25, $0xF000;
	s25 =	sadd.s32 $0x400, s25;
	_ =	swait.ge [sflag:s17], $0x2800  }
0x35: {  	s28 =	sshra.s32 s28, $0x2;
	[sflag:s17] =	ssyncset.done $0x0  }
0x36: {  	s29 =	sadd.s32 $0x2780, s28;
	[sflag:s17] =	ssyncadd.s32 $0xFFFFD800  }
0x37: {  	[spmem:s2] =	stream.indirect.scatter.add.f32 [tilespmem:s13], [sflag:$0x3], $0x80, s29, s12, $0xb8;
	[tilespmem:$0x1F000] =	vst v63  }
0x38: {  	_ =	swait.ge [sflag:s10], $0x2800  }
0x39: {  	[sflag:s10] =	ssyncset.done $0x0  }
0x3a: {  	s29 =	sadd.s32 $0xFFFFFFB0, s26;
	[sflag:s10] =	ssyncadd.s32 $0xFFFFD800  }
0x3b: {  	[tilespmem:s13], [sflag:$0x1] =	stream.indirect.gather [hbm4b:s4+s12], $0x80, s29, s12, $0xb8;
	[tilespmem:$0x1F000] =	vst v63  }
0x3c: {  	_ =	swait.ge [sflag:s18], $0x2800  }
0x3d: {  	[sflag:s18] =	ssyncset.done $0x0  }
.Ltmp0:
0x3e: {  	s28 =	sadd.s32 $0x2800, s28;
	[sflag:s18] =	ssyncadd.s32 $0xFFFFD800;
	(pc) =	sbr.rel @p1 .LBB2_2-.Ltmp0, $4  }
0x3f: {  	[spmem:s2] =	stream.indirect.scatter.add.f32 [tilespmem:s14], [sflag:$0x3], $0x80, s28, s12, $0xb8;
	[tilespmem:$0x1F000] =	vst v63  }
0x40: {  	_ =	swait.ge [sflag:s10], $0x2800  }
0x41: {  	[sflag:s10] =	ssyncset.done $0x0  }
0x42: {  	s26 =	sadd.s32 $0xA0, s26;
	[sflag:s10] =	ssyncadd.s32 $0xFFFFD800  }
0x43: {  	[tilespmem:s14], [sflag:$0x2] =	stream.indirect.gather [hbm4b:s4+s12], $0x80, s24, s12, $0xb8;
	[tilespmem:$0x1F000] =	vst v63  }
0x44: {  	_ =	swait.ge [sflag:s17], $0x2800  }
0x45: {  	[sflag:s17] =	ssyncset.done $0x0  }
0x46: {  	[sflag:s17] =	ssyncadd.s32 $0xFFFFD800  }
0x47: {  	[spmem:s2] =	stream.indirect.scatter.add.f32 [tilespmem:s13], [sflag:$0x3], $0x80, s19, s12, $0xb8;
	[tilespmem:$0x1F000] =	vst v63  }
0x48: {  	_ =	swait.ge [sflag:s10], $0x2800  }
0x49: {  	[sflag:s10] =	ssyncset.done $0x0  }
0x4a: {  	[sflag:s10] =	ssyncadd.s32 $0xFFFFD800  }
0x4b: {  	[tilespmem:s13], [sflag:$0x1] =	stream.indirect.gather [hbm4b:s4+s12], $0x80, s20, s12, $0xb8;
	[tilespmem:$0x1F000] =	vst v63  }
0x4c: {  	_ =	swait.ge [sflag:s18], $0x2800  }
0x4d: {  	[sflag:s18] =	ssyncset.done $0x0  }
0x4e: {  	[sflag:s18] =	ssyncadd.s32 $0xFFFFD800  }
0x4f: {  	[spmem:s2] =	stream.indirect.scatter.add.f32 [tilespmem:s14], [sflag:$0x3], $0x80, s21, s12, $0xb8;
	[tilespmem:$0x1F000] =	vst v63  }
0x50: {  	_ =	swait.ge [sflag:s10], $0x2800  }
0x51: {  	[sflag:s10] =	ssyncset.done $0x0  }
0x52: {  	[sflag:s10] =	ssyncadd.s32 $0xFFFFD800  }
0x53: {  	_ =	swait.ge [sflag:s17], $0x2800  }
0x54: {  	[sflag:s17] =	ssyncset.done $0x0  }
0x55: {  	[sflag:s17] =	ssyncadd.s32 $0xFFFFD800  }
0x56: {  	[spmem:s2] =	stream.indirect.scatter.add.f32 [tilespmem:s13], [sflag:$0x3], $0x80, s22, s12, $0xb8;
	[tilespmem:$0x1F000] =	vst v63  }
0x57: {  	_ =	swait.ge [sflag:s10], $0x2800  }
0x58: {  	s23 =	sadd.s32 $0x1, s23;
	[sflag:s10] =	ssyncset.done $0x0  }
0x59: {  	p1 =	sne.s32 s23, s9;
	[sflag:s10] =	ssyncadd.s32 $0xFFFFD800  }
.Ltmp1:
0x5a: {  	s24 =	simm.s32 @!p0 $0x3;
	[bflag:$0x0] =	sbarrier.arrive $0xFFFF;
	(pc) =	sbr.rel @p1 .LBB2_1-.Ltmp1, $4  }
0x5b: {  	[hbm:s8], [sflag:s15] =	dma.local @!p0 [spmem:s16], $0x3E80  }
0x5c: {  	_ =	swait.ge @!p0 [sflag:s24], $0x3E80  }
0x5d: {  	[sflag:s24] =	ssyncset.done @!p0 $0x0  }
0x5e: {  	[sflag:s24] =	ssyncadd.s32 @!p0 $0xFFFFC180  }
0x5f: {  	_ =	sfence.sel $0x180000  }
0x60: {  	[bflag:$0x0] =	sbarrier.arrive $0xFFFF  }
0x61: {  	p0 =	sne.s32 s0, $0x0;
	_ =	strace $0x90000047  }
0x62: {  	s0 =	sadd.s32 @!p0 $0x100000, s1;
	[bflag:$0x2] =	sbarrier.arrive $0xFFFF  }
0x63: {  	[sflag:s0] =	ssyncadd.tile.s32 @!p0 $0x1;
	_ =	shalt  }
.Lfunc_end2:
_tile_overlayer_lowered:
.L_overlay_start_2:
0x64: {  	(tag) =	ssettag $0x2  }
0x65: {  	s0 =	rddreg [dreg:$0x0];
	s2 =	stileid.u32  }
0x66: {  	s1 =	rddreg [dreg:$0x1];
	p0 =	sne.s32 s2, $0x0  }
0x67: {  	s3 =	rddreg [dreg:$0x2];
	[bflag:$0x3] =	sbarrier.arrive $0xFFFF;
	s2 =	simm.s32 @!p0 $0x1C03  }
0x68: {  	[timem:s3], [sflag:s2] =	dma.local @!p0 [hbm:s0], s1  }
0x69: {  	s0 =	simm.s32 @!p0 $0x3  }
0x6a: {  	_ =	swait.ge @!p0 [sflag:s0], s1  }
0x6b: {  	s1 =	ssub.s32 @!p0 $0x0, s1;
	[sflag:s0] =	ssyncset.done @!p0 $0x0  }
0x6c: {  	[sflag:s0] =	ssyncadd.s32 @!p0 s1  }
0x6d: {  	[bflag:$0x3] =	sbarrier.arrive $0xFFFF  }
0x6e: {  	_ =	shalt  }

</sc_bundles>
